<compile_context>
chip_gen: v7x
topology: tpu7x:2x2x1
jax: 0.10.2.dev20260603
libtpu: 0.0.44.dev20260713+nightly
codegen_flags: <defaults>
</compile_context>

<pallas_src>
import functools

import jax
import jax.numpy as jnp
from jax import lax
from jax.experimental import pallas as pl
from jax.experimental.pallas import tpu as pltpu
from jax.experimental.pallas import tpu_sc as plsc

_TOP_K = 2
_TILE = 4096
_N = 32768
_E = 64
_NC = 2
_NS = 16
_L = 16
_NW = _NC * _NS
_TPW = _N // _NW


def _logits_kernel(x_ref, w_ref, lt_ref):
    x = x_ref[...]
    w = w_ref[...]
    logits = jax.lax.dot_general(
        x, w, (((1,), (1,)), ((), ())),
        preferred_element_type=jnp.float32)
    lt_ref[...] = logits.T


def _compute_logits_t(x, W):
    n, d = x.shape
    e = W.shape[0]
    return pl.pallas_call(
        _logits_kernel,
        grid=(n // _TILE,),
        in_specs=[
            pl.BlockSpec((_TILE, d), lambda i: (i, 0)),
            pl.BlockSpec((e, d), lambda i: (0, 0)),
        ],
        out_specs=pl.BlockSpec((e, _TILE), lambda i: (0, i)),
        out_shape=jax.ShapeDtypeStruct((e, n), jnp.float32),
        compiler_params=pltpu.CompilerParams(
            dimension_semantics=("parallel",)),
    )(x, W)


@functools.partial(
    pl.kernel,
    out_type=[
        jax.ShapeDtypeStruct((_N,), jnp.int32),
        jax.ShapeDtypeStruct((_N,), jnp.int32),
        jax.ShapeDtypeStruct((_N,), jnp.float32),
        jax.ShapeDtypeStruct((_N,), jnp.float32),
    ],
    mesh=plsc.VectorSubcoreMesh(
        core_axis_name="c", subcore_axis_name="s",
        num_cores=_NC, num_subcores=_NS),
    scratch_types=[
        pltpu.VMEM((_E, _TPW), jnp.float32),
        pltpu.VMEM((_TPW,), jnp.int32),
        pltpu.VMEM((_TPW,), jnp.int32),
        pltpu.VMEM((_TPW,), jnp.float32),
        pltpu.VMEM((_TPW,), jnp.float32),
    ],
)
def _sc_top2(lt_hbm, i1_hbm, i2_hbm, g1_hbm, g2_hbm,
             lt_v, i1_v, i2_v, g1_v, g2_v):
    wid = lax.axis_index("s") * _NC + lax.axis_index("c")
    base = wid * _TPW
    pltpu.sync_copy(lt_hbm.at[:, pl.ds(base, _TPW)], lt_v)

    def group(g, carry):
        sl = pl.ds(g * _L, _L)
        m1 = lt_v[0, sl]
        i1 = jnp.zeros((_L,), jnp.int32)
        m2 = jnp.full((_L,), -jnp.inf, jnp.float32)
        i2 = jnp.zeros((_L,), jnp.int32)

        def body(e, c):
            m1, i1, m2, i2 = c
            v = lt_v[e, sl]
            e_vec = jnp.full((_L,), 0, jnp.int32) + e
            gt1 = v > m1
            gt2 = v > m2
            m2n = jnp.where(gt1, m1, jnp.where(gt2, v, m2))
            i2n = jnp.where(gt1, i1, jnp.where(gt2, e_vec, i2))
            m1n = jnp.where(gt1, v, m1)
            i1n = jnp.where(gt1, e_vec, i1)
            return m1n, i1n, m2n, i2n

        m1, i1, m2, i2 = lax.fori_loop(1, _E, body, (m1, i1, m2, i2))
        t = jnp.exp(m2 - m1)
        i1_v[sl] = i1
        i2_v[sl] = i2
        g1_v[sl] = 1.0 / (1.0 + t)
        g2_v[sl] = t / (1.0 + t)
        return carry

    lax.fori_loop(0, _TPW // _L, group, 0)
    pltpu.sync_copy(i1_v, i1_hbm.at[pl.ds(base, _TPW)])
    pltpu.sync_copy(i2_v, i2_hbm.at[pl.ds(base, _TPW)])
    pltpu.sync_copy(g1_v, g1_hbm.at[pl.ds(base, _TPW)])
    pltpu.sync_copy(g2_v, g2_hbm.at[pl.ds(base, _TPW)])


@jax.jit
def kernel(x, W):
    lt = _compute_logits_t(x, W)
    i1, i2, g1, g2 = _sc_top2(lt)
    idx = jnp.stack([i1, i2], axis=1)
    gates = jnp.stack([g1, g2], axis=1)
    return idx, gates

# --- scband reference (transcript-rebuilt; emitter-appended) ---
"""Pipeline reference for scband-top-kgating-3478923510213 (READ-ONLY COPY).

The authoritative reference and input builder live on the scoring server;
editing this copy changes nothing except your own understanding.
"""

import jax, jax.numpy as jnp
import numpy as np

TOP_K = 2
NUM_EXPERTS = 64
D_MODEL = 768
N_TOKENS = 32768


def setup_inputs(seed: int = 0) -> dict:
    key = jax.random.key(seed)
    kx, kw = jax.random.split(key)
    x = jax.random.normal(kx, (N_TOKENS, D_MODEL), dtype=jnp.float32)
    W = jax.random.normal(kw, (NUM_EXPERTS, D_MODEL), dtype=jnp.float32) * 0.02
    return {"x": x, "W": W}


def reference(x, W):
    # logits = self.layer(x).float()  (Linear without bias: x @ W.T)
    logits = (x @ W.T).astype(jnp.float32)
    # top_k_logits, top_k_indices = logits.topk(self.top_k, dim=1)
    top_k_logits, top_k_indices = jax.lax.top_k(logits, TOP_K)
    # top_k_gates = torch.softmax(top_k_logits, dim=1).type_as(x)
    top_k_gates = jax.nn.softmax(top_k_logits, axis=1).astype(x.dtype)
    # eval mode: self.loss = 0, auxiliary loss branch skipped
    return (top_k_indices, top_k_gates)

if __name__ == "__main__":
    import jax
    _d = setup_inputs()
    print(jax.jit(kernel)(*tuple(_d.values())))

</pallas_src>

<mosaic_0001>
#map = affine_map<(d0, d1) -> (0, 0)>
#map1 = affine_map<(d0, d1) -> (0)>
module attributes {stable_mosaic.version = 14 : i64} {
  func.func @_sc_top2(%arg0: i32, %arg1: i32, %arg2: memref<64x32768xf32, #tpu.memory_space<hbm>>, %arg3: memref<32768xi32, #tpu.memory_space<hbm>>, %arg4: memref<32768xi32, #tpu.memory_space<hbm>>, %arg5: memref<32768xf32, #tpu.memory_space<hbm>>, %arg6: memref<32768xf32, #tpu.memory_space<hbm>>, %arg7: memref<64x1024xf32, #tpu.memory_space<vmem>>, %arg8: memref<1024xi32, #tpu.memory_space<vmem>>, %arg9: memref<1024xi32, #tpu.memory_space<vmem>>, %arg10: memref<1024xf32, #tpu.memory_space<vmem>>, %arg11: memref<1024xf32, #tpu.memory_space<vmem>>) attributes {dimension_semantics = [#tpu.dimension_semantics<core_parallel>, #tpu.dimension_semantics<subcore_parallel>], iteration_bounds = array<i64: 2, 16>, scalar_prefetch = 0 : i64, scratch_operands = 5 : i64, tpu.core_type = #tpu.core_type<sc_vector_subcore>, window_params = [{transform_indices = #map}, {transform_indices = #map1}, {transform_indices = #map1}, {transform_indices = #map1}, {transform_indices = #map1}]} {
    %mul3A = arith.constant 2 : i32
    %mul3A_0 = arith.muli %arg1, %mul3A : i32
    %add3A = arith.addi %mul3A_0, %arg0 : i32
    %mul3A_1 = arith.constant 1024 : i32
    %mul3A_2 = arith.muli %add3A, %mul3A_1 : i32
    "tpu.region"() ({
      %run_scoped3A = tpu.sem_alloc : memref<!tpu.dma_semaphore, #tpu.memory_space<semaphore_mem>>
      %dma_start3A = arith.constant 0 : i32
      %dma_start3A_8 = tpu.memref_slice %arg2[%dma_start3A, %mul3A_2] : memref<64x32768xf32, #tpu.memory_space<hbm>> -> memref<64x1024xf32, #tpu.memory_space<hbm>>
      %dma_start3A_9 = arith.constant 0 : i32
      %dma_start3A_10 = tpu.memref_slice %arg2[%dma_start3A_9, %mul3A_2] : memref<64x32768xf32, #tpu.memory_space<hbm>> -> memref<64x1024xf32, #tpu.memory_space<hbm>>
      tpu.enqueue_dma source(%dma_start3A_10 : memref<64x1024xf32, #tpu.memory_space<hbm>>) target(%arg7 : memref<64x1024xf32, #tpu.memory_space<vmem>>) target_semaphore(%run_scoped3A : memref<!tpu.dma_semaphore, #tpu.memory_space<semaphore_mem>>)
      %dma_wait3A = arith.constant 0 : i32
      %dma_wait3A_11 = tpu.memref_slice %arg2[%dma_wait3A, %mul3A_2] : memref<64x32768xf32, #tpu.memory_space<hbm>> -> memref<64x1024xf32, #tpu.memory_space<hbm>>
      %dma_wait3A_12 = arith.constant 0 : i32
      %dma_wait3A_13 = tpu.memref_slice %arg2[%dma_wait3A_12, %mul3A_2] : memref<64x32768xf32, #tpu.memory_space<hbm>> -> memref<64x1024xf32, #tpu.memory_space<hbm>>
      tpu.wait_dma2 semaphore(%run_scoped3A : memref<!tpu.dma_semaphore, #tpu.memory_space<semaphore_mem>>) src(%dma_wait3A_13 : memref<64x1024xf32, #tpu.memory_space<hbm>>) dst(%arg7 : memref<64x1024xf32, #tpu.memory_space<vmem>>)
      tpu.yield
    }) : () -> ()
    %scan3A = arith.constant 0 : i32
    %scan3A_3 = arith.constant 0 : i32
    %scan3A_4 = arith.constant 64 : i32
    %scan3A_5 = arith.addi %scan3A_3, %scan3A_4 : i32
    %scan3A_6 = arith.constant 1 : i32
    scf.for %scan3A_8 = %scan3A_3 to %scan3A_5 step %scan3A_6  : i32 {
      %mul3A_9 = arith.constant 16 : i32
      %mul3A_10 = arith.muli %scan3A_8, %mul3A_9 : i32
      %get3A = arith.constant 0 : i32
      %get3A_11 = arith.index_cast %get3A : i32 to index
      %get3A_12 = arith.index_cast %mul3A_10 : i32 to index
      %get3A_13 = tpu.vector_load %arg7[%get3A_11, %get3A_12] {strides = array<i32>} : memref<64x1024xf32, #tpu.memory_space<vmem>>, vector<1x16xf32>,
      %get3A_14 = vector.shape_cast %get3A_13 : vector<1x16xf32> to vector<16xf32>
      %broadcast_in_dim3A = arith.constant 0 : i32
      %broadcast_in_dim3A_15 = vector.broadcast %broadcast_in_dim3A : i32 to vector<16xi32>
      %broadcast_in_dim3A_16 = arith.constant 0xFF800000 : f32
      %broadcast_in_dim3A_17 = vector.broadcast %broadcast_in_dim3A_16 : f32 to vector<16xf32>
      %broadcast_in_dim3A_18 = arith.constant 0 : i32
      %broadcast_in_dim3A_19 = vector.broadcast %broadcast_in_dim3A_18 : i32 to vector<16xi32>
      %scan3A_20 = arith.constant 1 : i32
      %scan3A_21 = arith.constant 63 : i32
      %scan3A_22 = arith.addi %scan3A_20, %scan3A_21 : i32
      %scan3A_23 = arith.constant 1 : i32
      %scan3A_24:4 = scf.for %scan3A_50 = %scan3A_20 to %scan3A_22 step %scan3A_23 iter_args(%scan3A_51 = %get3A_14, %scan3A_52 = %broadcast_in_dim3A_15, %scan3A_53 = %broadcast_in_dim3A_17, %scan3A_54 = %broadcast_in_dim3A_19) -> (vector<16xf32>, vector<16xi32>, vector<16xf32>, vector<16xi32>)  : i32 {
        %get3A_55 = arith.index_cast %scan3A_50 : i32 to index
        %get3A_56 = arith.index_cast %mul3A_10 : i32 to index
        %get3A_57 = tpu.vector_load %arg7[%get3A_55, %get3A_56] {strides = array<i32>} : memref<64x1024xf32, #tpu.memory_space<vmem>>, vector<1x16xf32>,
        %get3A_58 = vector.shape_cast %get3A_57 : vector<1x16xf32> to vector<16xf32>
        %broadcast_in_dim3A_59 = arith.constant 0 : i32
        %broadcast_in_dim3A_60 = vector.broadcast %broadcast_in_dim3A_59 : i32 to vector<16xi32>
        %add3A_61 = vector.broadcast %scan3A_50 : i32 to vector<16xi32>
        %add3A_62 = arith.addi %broadcast_in_dim3A_60, %add3A_61 : vector<16xi32>
        %gt3A = arith.cmpf ogt, %get3A_58, %scan3A_51 : vector<16xf32>
        %gt3A_63 = arith.cmpf ogt, %get3A_58, %scan3A_53 : vector<16xf32>
        %select_n3A = arith.select %gt3A_63, %get3A_58, %scan3A_53 : vector<16xi1>, vector<16xf32>
        %select_n3A_64 = arith.select %gt3A, %scan3A_51, %select_n3A : vector<16xi1>, vector<16xf32>
        %select_n3A_65 = arith.select %gt3A_63, %add3A_62, %scan3A_54 : vector<16xi1>, vector<16xi32>
        %select_n3A_66 = arith.select %gt3A, %scan3A_52, %select_n3A_65 : vector<16xi1>, vector<16xi32>
        %select_n3A_67 = arith.select %gt3A, %get3A_58, %scan3A_51 : vector<16xi1>, vector<16xf32>
        %select_n3A_68 = arith.select %gt3A, %add3A_62, %scan3A_52 : vector<16xi1>, vector<16xi32>
        scf.yield %select_n3A_67, %select_n3A_68, %select_n3A_64, %select_n3A_66 : vector<16xf32>, vector<16xi32>, vector<16xf32>, vector<16xi32>
      }
      %scan3A_25 = arith.constant 63 : i32
      %sub3A = arith.subf %scan3A_24#2, %scan3A_24#0 : vector<16xf32>
      %exp3A = math.exp %sub3A : vector<16xf32>
      %swap3A = arith.index_cast %mul3A_10 : i32 to index
      %swap3A_26 = tpu.vector_load %arg8[%swap3A] {strides = array<i32>} : memref<1024xi32, #tpu.memory_space<vmem>>, vector<16xi32>,
      %swap3A_27 = vector.shape_cast %swap3A_26 : vector<16xi32> to vector<16xi32>
      %swap3A_28 = vector.shape_cast %scan3A_24#1 : vector<16xi32> to vector<16xi32>
      tpu.vector_store %arg8[%swap3A], %swap3A_28 {strides = array<i32>} : memref<1024xi32, #tpu.memory_space<vmem>>, vector<16xi32>,
      %swap3A_29 = arith.index_cast %mul3A_10 : i32 to index
      %swap3A_30 = tpu.vector_load %arg9[%swap3A_29] {strides = array<i32>} : memref<1024xi32, #tpu.memory_space<vmem>>, vector<16xi32>,
      %swap3A_31 = vector.shape_cast %swap3A_30 : vector<16xi32> to vector<16xi32>
      %swap3A_32 = vector.shape_cast %scan3A_24#3 : vector<16xi32> to vector<16xi32>
      tpu.vector_store %arg9[%swap3A_29], %swap3A_32 {strides = array<i32>} : memref<1024xi32, #tpu.memory_space<vmem>>, vector<16xi32>,
      %add3A_33 = arith.constant 1.000000e+00 : f32
      %add3A_34 = vector.broadcast %add3A_33 : f32 to vector<16xf32>
      %add3A_35 = arith.addf %add3A_34, %exp3A : vector<16xf32>
      %div3A = arith.constant 1.000000e+00 : f32
      %div3A_36 = vector.broadcast %div3A : f32 to vector<16xf32>
      %div3A_37 = arith.divf %div3A_36, %add3A_35 : vector<16xf32>
      %swap3A_38 = arith.index_cast %mul3A_10 : i32 to index
      %swap3A_39 = tpu.vector_load %arg10[%swap3A_38] {strides = array<i32>} : memref<1024xf32, #tpu.memory_space<vmem>>, vector<16xf32>,
      %swap3A_40 = vector.shape_cast %swap3A_39 : vector<16xf32> to vector<16xf32>
      %swap3A_41 = vector.shape_cast %div3A_37 : vector<16xf32> to vector<16xf32>
      tpu.vector_store %arg10[%swap3A_38], %swap3A_41 {strides = array<i32>} : memref<1024xf32, #tpu.memory_space<vmem>>, vector<16xf32>,
      %add3A_42 = arith.constant 1.000000e+00 : f32
      %add3A_43 = vector.broadcast %add3A_42 : f32 to vector<16xf32>
      %add3A_44 = arith.addf %add3A_43, %exp3A : vector<16xf32>
      %div3A_45 = arith.divf %exp3A, %add3A_44 : vector<16xf32>
      %swap3A_46 = arith.index_cast %mul3A_10 : i32 to index
      %swap3A_47 = tpu.vector_load %arg11[%swap3A_46] {strides = array<i32>} : memref<1024xf32, #tpu.memory_space<vmem>>, vector<16xf32>,
      %swap3A_48 = vector.shape_cast %swap3A_47 : vector<16xf32> to vector<16xf32>
      %swap3A_49 = vector.shape_cast %div3A_45 : vector<16xf32> to vector<16xf32>
      tpu.vector_store %arg11[%swap3A_46], %swap3A_49 {strides = array<i32>} : memref<1024xf32, #tpu.memory_space<vmem>>, vector<16xf32>,
    }
    %scan3A_7 = arith.constant 64 : i32
    "tpu.region"() ({
      %run_scoped3A = tpu.sem_alloc : memref<!tpu.dma_semaphore, #tpu.memory_space<semaphore_mem>>
      %dma_start3A = tpu.memref_slice %arg3[%mul3A_2] : memref<32768xi32, #tpu.memory_space<hbm>> -> memref<1024xi32, #tpu.memory_space<hbm>>
      %dma_start3A_8 = tpu.memref_slice %arg3[%mul3A_2] : memref<32768xi32, #tpu.memory_space<hbm>> -> memref<1024xi32, #tpu.memory_space<hbm>>
      tpu.enqueue_dma source(%arg8 : memref<1024xi32, #tpu.memory_space<vmem>>) target(%dma_start3A_8 : memref<1024xi32, #tpu.memory_space<hbm>>) target_semaphore(%run_scoped3A : memref<!tpu.dma_semaphore, #tpu.memory_space<semaphore_mem>>)
      %dma_wait3A = tpu.memref_slice %arg3[%mul3A_2] : memref<32768xi32, #tpu.memory_space<hbm>> -> memref<1024xi32, #tpu.memory_space<hbm>>
      %dma_wait3A_9 = tpu.memref_slice %arg3[%mul3A_2] : memref<32768xi32, #tpu.memory_space<hbm>> -> memref<1024xi32, #tpu.memory_space<hbm>>
      tpu.wait_dma2 semaphore(%run_scoped3A : memref<!tpu.dma_semaphore, #tpu.memory_space<semaphore_mem>>) src(%arg8 : memref<1024xi32, #tpu.memory_space<vmem>>) dst(%dma_wait3A_9 : memref<1024xi32, #tpu.memory_space<hbm>>)
      tpu.yield
    }) : () -> ()
    "tpu.region"() ({
      %run_scoped3A = tpu.sem_alloc : memref<!tpu.dma_semaphore, #tpu.memory_space<semaphore_mem>>
      %dma_start3A = tpu.memref_slice %arg4[%mul3A_2] : memref<32768xi32, #tpu.memory_space<hbm>> -> memref<1024xi32, #tpu.memory_space<hbm>>
      %dma_start3A_8 = tpu.memref_slice %arg4[%mul3A_2] : memref<32768xi32, #tpu.memory_space<hbm>> -> memref<1024xi32, #tpu.memory_space<hbm>>
      tpu.enqueue_dma source(%arg9 : memref<1024xi32, #tpu.memory_space<vmem>>) target(%dma_start3A_8 : memref<1024xi32, #tpu.memory_space<hbm>>) target_semaphore(%run_scoped3A : memref<!tpu.dma_semaphore, #tpu.memory_space<semaphore_mem>>)
      %dma_wait3A = tpu.memref_slice %arg4[%mul3A_2] : memref<32768xi32, #tpu.memory_space<hbm>> -> memref<1024xi32, #tpu.memory_space<hbm>>
      %dma_wait3A_9 = tpu.memref_slice %arg4[%mul3A_2] : memref<32768xi32, #tpu.memory_space<hbm>> -> memref<1024xi32, #tpu.memory_space<hbm>>
      tpu.wait_dma2 semaphore(%run_scoped3A : memref<!tpu.dma_semaphore, #tpu.memory_space<semaphore_mem>>) src(%arg9 : memref<1024xi32, #tpu.memory_space<vmem>>) dst(%dma_wait3A_9 : memref<1024xi32, #tpu.memory_space<hbm>>)
      tpu.yield
    }) : () -> ()
    "tpu.region"() ({
      %run_scoped3A = tpu.sem_alloc : memref<!tpu.dma_semaphore, #tpu.memory_space<semaphore_mem>>
      %dma_start3A = tpu.memref_slice %arg5[%mul3A_2] : memref<32768xf32, #tpu.memory_space<hbm>> -> memref<1024xf32, #tpu.memory_space<hbm>>
      %dma_start3A_8 = tpu.memref_slice %arg5[%mul3A_2] : memref<32768xf32, #tpu.memory_space<hbm>> -> memref<1024xf32, #tpu.memory_space<hbm>>
      tpu.enqueue_dma source(%arg10 : memref<1024xf32, #tpu.memory_space<vmem>>) target(%dma_start3A_8 : memref<1024xf32, #tpu.memory_space<hbm>>) target_semaphore(%run_scoped3A : memref<!tpu.dma_semaphore, #tpu.memory_space<semaphore_mem>>)
      %dma_wait3A = tpu.memref_slice %arg5[%mul3A_2] : memref<32768xf32, #tpu.memory_space<hbm>> -> memref<1024xf32, #tpu.memory_space<hbm>>
      %dma_wait3A_9 = tpu.memref_slice %arg5[%mul3A_2] : memref<32768xf32, #tpu.memory_space<hbm>> -> memref<1024xf32, #tpu.memory_space<hbm>>
      tpu.wait_dma2 semaphore(%run_scoped3A : memref<!tpu.dma_semaphore, #tpu.memory_space<semaphore_mem>>) src(%arg10 : memref<1024xf32, #tpu.memory_space<vmem>>) dst(%dma_wait3A_9 : memref<1024xf32, #tpu.memory_space<hbm>>)
      tpu.yield
    }) : () -> ()
    "tpu.region"() ({
      %run_scoped3A = tpu.sem_alloc : memref<!tpu.dma_semaphore, #tpu.memory_space<semaphore_mem>>
      %dma_start3A = tpu.memref_slice %arg6[%mul3A_2] : memref<32768xf32, #tpu.memory_space<hbm>> -> memref<1024xf32, #tpu.memory_space<hbm>>
      %dma_start3A_8 = tpu.memref_slice %arg6[%mul3A_2] : memref<32768xf32, #tpu.memory_space<hbm>> -> memref<1024xf32, #tpu.memory_space<hbm>>
      tpu.enqueue_dma source(%arg11 : memref<1024xf32, #tpu.memory_space<vmem>>) target(%dma_start3A_8 : memref<1024xf32, #tpu.memory_space<hbm>>) target_semaphore(%run_scoped3A : memref<!tpu.dma_semaphore, #tpu.memory_space<semaphore_mem>>)
      %dma_wait3A = tpu.memref_slice %arg6[%mul3A_2] : memref<32768xf32, #tpu.memory_space<hbm>> -> memref<1024xf32, #tpu.memory_space<hbm>>
      %dma_wait3A_9 = tpu.memref_slice %arg6[%mul3A_2] : memref<32768xf32, #tpu.memory_space<hbm>> -> memref<1024xf32, #tpu.memory_space<hbm>>
      tpu.wait_dma2 semaphore(%run_scoped3A : memref<!tpu.dma_semaphore, #tpu.memory_space<semaphore_mem>>) src(%arg11 : memref<1024xf32, #tpu.memory_space<vmem>>) dst(%dma_wait3A_9 : memref<1024xf32, #tpu.memory_space<hbm>>)
      tpu.yield
    }) : () -> ()
    return
  }
}

module attributes {stable_mosaic.version = 14 : i64} {
  func.func @_logits_kernel(%arg0: i32, %arg1: memref<4096x768xf32, #tpu.memory_space<vmem>>, %arg2: memref<64x768xf32, #tpu.memory_space<vmem>>, %arg3: memref<64x4096xf32, #tpu.memory_space<vmem>>) attributes {dimension_semantics = [#tpu.dimension_semantics<parallel>], iteration_bounds = array<i64: 8>, scalar_prefetch = 0 : i64, scratch_operands = 0 : i64, tpu.core_type = #tpu.core_type<tc>, window_params = [{transform_indices = @transform_0, window_bounds = array<i64: 4096, 768>}, {pipeline_mode = #tpu.pipeline_mode<synchronous>, transform_indices = @transform_1, window_bounds = array<i64: 64, 768>}, {transform_indices = @transform_2, window_bounds = array<i64: 64, 4096>}]} {
    %get3A = arith.constant 0 : index
    %get3A_0 = arith.constant 0 : index
    %get3A_1 = vector.load %arg1[%get3A, %get3A_0] : memref<4096x768xf32, #tpu.memory_space<vmem>>, vector<4096x768xf32>
    %get3A_2 = arith.constant 0 : index
    %get3A_3 = arith.constant 0 : index
    %get3A_4 = vector.load %arg2[%get3A_2, %get3A_3] : memref<64x768xf32, #tpu.memory_space<vmem>>, vector<64x768xf32>
    %dot_general3A = arith.constant dense<0.000000e+00> : vector<4096x64xf32>
    %dot_general3A_5 = tpu.matmul %get3A_1, %get3A_4, %dot_general3A {dimension_numbers = #tpu.dot_dimension_numbers<[1], [1], [0], [0], [0, 0, 1, 0], [], []>, transpose_lhs_hint = false} : vector<4096x768xf32>, vector<64x768xf32>, vector<4096x64xf32> -> vector<4096x64xf32>
    %transpose3A = tpu.transpose %dot_general3A_5, [1, 0] : vector<4096x64xf32> -> vector<64x4096xf32>
    %swap3A = arith.constant 0 : index
    %swap3A_6 = arith.constant 0 : index
    %swap3A_7 = vector.load %arg3[%swap3A, %swap3A_6] : memref<64x4096xf32, #tpu.memory_space<vmem>>, vector<64x4096xf32>
    tpu.vector_store %arg3[%swap3A, %swap3A_6], %transpose3A {strides = array<i32>} : memref<64x4096xf32, #tpu.memory_space<vmem>>, vector<64x4096xf32>,
    return
  }
  func.func @transform_0(%arg0: i32) -> (i32, i32) {
    %c0_i32 = arith.constant 0 : i32
    %c0_i32_0 = arith.constant 0 : i32
    return %arg0, %c0_i32 : i32, i32
  }
  func.func @transform_1(%arg0: i32) -> (i32, i32) {
    %c0_i32 = arith.constant 0 : i32
    %c0_i32_0 = arith.constant 0 : i32
    %c0_i32_1 = arith.constant 0 : i32
    return %c0_i32, %c0_i32_0 : i32, i32
  }
  func.func @transform_2(%arg0: i32) -> (i32, i32) {
    %c0_i32 = arith.constant 0 : i32
    %c0_i32_0 = arith.constant 0 : i32
    return %c0_i32, %arg0 : i32, i32
  }
}

</mosaic_0001>

<sc_bundles>
// kernel: kernel.4.cloned.1.call-start
scs
__scs_entry_jumppad:
0x0: {  	(pc) =	sbr.rel $0x88, $3  }
0x1: {  	(tag) =	ssettag $0x0;
	lr =	simm.s32 $0x1  }
0x2: {  	[smem:$0x3F9F] =	sst lr;
	_ =	strace $0xD0000000  }
0x3: {  	_ = 	snop  }
0x4: {  	_ = 	snop  }
0x5: {  	_ = 	snop  }
0x6: {  	_ = 	snop  }
0x7: {  	_ = 	snop  }
__scs_overlays_trampoline_lowered:
0x8: {  	[smem:$0x3FAE] =	sst s0  }
0x9: {  	[smem:$0x3FAF] =	sst s1  }
0xa: {  	[smem:$0x3FB0] =	sst s2  }
0xb: {  	[smem:$0x3FB1] =	sst s3  }
0xc: {  	[smem:$0x3FB2] =	sst s4  }
0xd: {  	[smem:$0x3FB3] =	sst s5  }
0xe: {  	[smem:$0x3FB4] =	sst s6  }
0xf: {  	[smem:$0x3FB5] =	sst s7  }
0x10: {  	[smem:$0x3FB6] =	sst s8  }
0x11: {  	[smem:$0x3FB7] =	sst s9;
	s0 =	simm.s32 @!p0 $0x0  }
0x12: {  	s1 =	sld [smem:$0x3F9D];
	s0 =	simm.s32 @p0 $0x1  }
0x13: {  	[smem:$0x3FB8] =	sst s0;
	s0 =	simm.s32 @!p1 $0x0  }
0x14: {  	s2 =	sld [smem:$0x3F9C];
	s0 =	simm.s32 @p1 $0x1  }
0x15: {  	[smem:$0x3FB9] =	sst s0;
	s0 =	simm.s32 @!p2 $0x0  }
0x16: {  	s3 =	sld [smem:$0x3FDB];
	s0 =	simm.s32 @p2 $0x1  }
0x17: {  	s4 =	simm.s32 $0x1BF5;
	[smem:$0x3FBB] =	sst s0  }
0x18: {  	s0 =	sld [smem:$0x3F9E];
	_ =	swait.ge [sflag:s4], $0x0  }
0x19: {  	s7 =	sld [smem:$0x3F9F]  }
0x1a: {  	s8 =	sadd.s32 $0xFFFFE003, lr  }
0x1b: {  	s9 =	sadd.s32 $0xFFFFFEF7, lr;
	s5 =	simm.s32 $0xFFFFFFFF;
	p2 =	slt.u32 s8, $0xFFFFF086  }
0x1c: {  	p1 =	slt.u32 s9, $0xF7A;
	s5 =	simm.s32 @!p2 $0x0  }
0x1d: {  	s5 =	simm.s32 @p1 $0x1;
	p0 =	seq.s32 s7, s2  }
0x1e: {  	s7 =	smul.u32 @!p0 $0xF7A, s2;
	p2 =	seq.s32 @!p0 s5, $0x0  }
0x1f: {  	s9 =	smul.u32 $0xF7A, s1;
	s8 =	simm.s32 @!p0 $0x1BF5;
	p2 =	por !p2, p0  }
0x20: {  	[sflag:s8] =	ssyncset.s32 @!p0 $0xFFFFF086;
	s6 =	sadd.s32 @!p0 s3, s7;
	s7 =	simm.s32 @!p0 $0x108  }
0x21: {  	s3 =	sadd.s32 s3, s9;
	s6 =	sadd.s32 @!p0 $0x88, s6;
	s7 =	simm.s32 @p2 $0x1082  }
0x22: {  	[simem:s7], [sflag:s8] =	dma.local @!p0 [hbm:s6], $0xF7A  }
0x23: {  	s9 =	sor.u32 $0xD0000000, s2;
	s6 =	simm.s32 $0x108;
	_ =	swait.ge @!p0 [sflag:s8], $0x0  }
0x24: {  	s3 =	sadd.s32 $0x88, s3;
	s6 =	simm.s32 @!p1 $0x1082;
	[sflag:s4] =	ssyncset.s32 $0xFFFFF086  }
0x25: {  	[simem:s6], [sflag:s4] =	dma.local [hbm:s3], $0xF7A  }
0x26: {  	[smem:$0x3F9F] =	sst s1;
	(tag) =	ssettag s2;
	_ =	strace s9  }
0x27: {  	s1 =	sld [smem:$0x3FAF]  }
0x28: {  	s2 =	sld [smem:$0x3FB0]  }
0x29: {  	s4 =	sld [smem:$0x3FB2]  }
0x2a: {  	p0 =	seq.s32 s5, $0x0;
	s5 =	sld [smem:$0x3FB3]  }
0x2b: {  	s6 =	sld [smem:$0x3FB4]  }
0x2c: {  	s7 =	sld [smem:$0x3FB5]  }
0x2d: {  	s3 =	simm.s32 $0x108;
	s8 =	sld [smem:$0x3FB6]  }
0x2e: {  	s3 =	simm.s32 @!p0 $0x1082;
	s9 =	sld [smem:$0x3FB7]  }
0x2f: {  	lr =	sadd.s32 s0, s3;
	s0 =	sld [smem:$0x3FAE]  }
0x30: {  	s3 =	sld [smem:$0x3FB1]  }
0x31: {  	[smem:$0x3FBA] =	sst s10  }
0x32: {  	s10 =	sld [smem:$0x3FB8];
	_ =	sdelay $0x3  }
0x33: {  	p0 =	seq.s32 s10, $0x1;
	s10 =	sld [smem:$0x3FBA];
	_ =	sdelay $0x3  }
0x34: {  	[smem:$0x3FBA] =	sst s10  }
0x35: {  	s10 =	sld [smem:$0x3FB9];
	_ =	sdelay $0x3  }
0x36: {  	p1 =	seq.s32 s10, $0x1;
	s10 =	sld [smem:$0x3FBA];
	_ =	sdelay $0x3  }
0x37: {  	[smem:$0x3FBA] =	sst s10  }
0x38: {  	s10 =	sld [smem:$0x3FBB]  }
0x39: {  	_ = 	snop;
	(pc) =	sbr.ind lr, $3  }
0x3a: {  	_ = 	snop  }
0x3b: {  	_ = 	snop  }
0x3c: {  	p2 =	seq.s32 s10, $0x1;
	s10 =	sld [smem:$0x3FBA]  }
0x3d: {  	_ =	shalt  }
0x3e: {  	_ =	shalt  }
0x3f: {  	_ =	shalt  }
0x40: {  	_ =	shalt  }
0x41: {  	_ =	shalt  }
0x42: {  	_ =	shalt  }
0x43: {  	_ =	shalt  }
0x44: {  	_ =	shalt  }
0x45: {  	_ =	shalt  }
0x46: {  	_ =	shalt  }
0x47: {  	_ =	shalt  }
0x48: {  	_ =	shalt  }
0x49: {  	_ =	shalt  }
0x4a: {  	_ =	shalt  }
0x4b: {  	_ =	shalt  }
0x4c: {  	_ =	shalt  }
0x4d: {  	_ =	shalt  }
0x4e: {  	_ =	shalt  }
0x4f: {  	_ =	shalt  }
0x50: {  	_ =	shalt  }
0x51: {  	_ =	shalt  }
0x52: {  	_ =	shalt  }
0x53: {  	_ =	shalt  }
0x54: {  	_ =	shalt  }
0x55: {  	_ =	shalt  }
0x56: {  	_ =	shalt  }
0x57: {  	_ =	shalt  }
0x58: {  	_ =	shalt  }
0x59: {  	_ =	shalt  }
0x5a: {  	_ =	shalt  }
0x5b: {  	_ =	shalt  }
0x5c: {  	_ =	shalt  }
0x5d: {  	_ =	shalt  }
0x5e: {  	_ =	shalt  }
0x5f: {  	_ =	shalt  }
0x60: {  	_ =	shalt  }
0x61: {  	_ =	shalt  }
0x62: {  	_ =	shalt  }
0x63: {  	_ =	shalt  }
0x64: {  	_ =	shalt  }
0x65: {  	_ =	shalt  }
0x66: {  	_ =	shalt  }
0x67: {  	_ =	shalt  }
0x68: {  	_ =	shalt  }
0x69: {  	_ =	shalt  }
0x6a: {  	_ =	shalt  }
0x6b: {  	_ =	shalt  }
0x6c: {  	_ =	shalt  }
0x6d: {  	_ =	shalt  }
0x6e: {  	_ =	shalt  }
0x6f: {  	_ =	shalt  }
0x70: {  	_ =	shalt  }
0x71: {  	_ =	shalt  }
0x72: {  	_ =	shalt  }
0x73: {  	_ =	shalt  }
0x74: {  	_ =	shalt  }
0x75: {  	_ =	shalt  }
0x76: {  	_ =	shalt  }
0x77: {  	_ =	shalt  }
0x78: {  	_ =	shalt  }
0x79: {  	_ =	shalt  }
0x7a: {  	_ =	shalt  }
0x7b: {  	_ =	shalt  }
0x7c: {  	_ =	shalt  }
0x7d: {  	_ =	shalt  }
0x7e: {  	_ =	shalt  }
0x7f: {  	_ =	shalt  }
0x80: {  	_ =	shalt  }
0x81: {  	_ =	shalt  }
0x82: {  	_ =	shalt  }
0x83: {  	_ =	shalt  }
0x84: {  	_ =	shalt  }
0x85: {  	_ =	shalt  }
0x86: {  	_ =	shalt  }
0x87: {  	_ =	shalt  }
.Lfunc_end0:
.L_simem_size_0:
called_computation_lowered:
.L_overlay_start_0:
0x88: {  	s2 =	sld [smem:$0x3FD9]  }
0x89: {  	s3 =	sld [smem:$0x3FFE];
	_ =	sdelay $0x1  }
0x8a: {  	s1 =	srdreg.scid  }
0x8b: {  	s0 =	sand.u32 $0x1, s1  }
0x8c: {  	s14 =	sshll.u32 s0, $0xA;
	s2 =	sadd.s32 s3, s2  }
0x8d: {  	s2 =	sadd.s32 s2, s14  }
0x8e: {  	[smem:$0x3FC6] =	sst s2  }
0x8f: {  	_ = 	snop  }
0x90: {  	s2 =	sld [smem:$0x3FD0];
	_ =	sdelay $0x2  }
0x91: {  	s15 =	simm.s32 $0xA;
	s4 =	simm.s32 $0x10  }
0x92: {  	[smem:s4], [sflag:s15] =	dma.local [hbm:s2], $0x1  }
0x93: {  	_ =	swait.eq [sflag:s15], $0x1  }
0x94: {  	[sflag:s15] =	ssyncset.done $0x0  }
0x95: {  	[sflag:s15] =	ssyncadd.s32 $0xFFFFFFFF  }
0x96: {  	s16 =	sld [smem:$0x11];
	(tm) =	ssettm $0x1  }
0x97: {  	s17 =	sld [smem:$0x3FFB];
	_ =	sdelay $0x3  }
0x98: {  	_ =	strace s17  }
0x99: {  	s3 =	sld [smem:$0x3FFC];
	_ =	sdelay $0x3  }
0x9a: {  	_ =	strace s3  }
0x9b: {  	s3 =	sld [smem:$0x3FFD];
	_ =	sdelay $0x3  }
0x9c: {  	_ =	strace s3  }
0x9d: {  	_ =	strace $0x8FFFFFFF  }
0x9e: {  	s18 =	sld [smem:$0x3FDB];
	_ =	sdelay $0x1  }
0x9f: {  	s19 =	simm.s32 $_scs_section_size  }
0xa0: {  	s5 =	simm.s32 $_size__tile_overlayer_lowered;
	s6 =	simm.s32 $_tile_overlayer_lowered  }
0xa1: {  	s22 =	simm.s32 $0x1BFF;
	s21 =	sshll.u32 s6, $0x1;
	s3 =	sadd.s32 s19, s18  }
0xa2: {  	s7 =	simm.s32 $0x0;
	s20 =	sshll.u32 s5, $0x1;
	s5 =	sadd.s32 s21, s3  }
0xa3: {  	[timem:s7], [sflag:s22] =	dma.local [hbm:s5], s20  }
0xa4: {  	_ =	swait.ge [sflag:s22], s20  }
0xa5: {  	s4 =	ssub.s32 $0x0, s20;
	[sflag:s22] =	ssyncset.done $0x0  }
0xa6: {  	[sflag:s22] =	ssyncadd.s32 s4;
	_ =	sdelay $0x1  }
0xa7: {  	s23 =	simm.s32 $0x1B8B  }
0xa8: {  	_ =	swait.ge [sflag:s23], $0x1  }
0xa9: {  	[sflag:s23] =	ssyncset.done $0x0  }
0xaa: {  	s25 =	simm.s32 $0x1B8E;
	s24 =	sld [smem:$0x3FFE];
	[sflag:s23] =	ssyncadd.s32 $0xFFFFFFFF  }
0xab: {  	s26 =	simm.s32 $execute0_lowered;
	[smem:$0x3FD2] =	sst s25  }
0xac: {  	s5 =	sshll.u32 s26, $0x1;
	_ =	strace $0x80000046;
	[dreg:$0x1] =	wrdreg $0xFFFFFFFF  }
0xad: {  	s28 =	simm.s32 $_size_execute0_lowered;
	s3 =	sadd.s32 s3, s5;
	[dreg:$0x0] =	wrdreg $0x0  }
0xae: {  	s5 =	sshll.u32 s28, $0x1;
	[dreg:$0x2] =	wrdreg s3  }
0xaf: {  	[dreg:$0x3] =	wrdreg s5  }
0xb0: {  	[dreg:$0x4] =	wrdreg $0xC0  }
0xb1: {  	_ =	task [dreg:s7], $0x5FFFF  }
0xb2: {  	[dreg:$0x1] =	wrdreg $0xFFFFFFFF  }
0xb3: {  	[dreg:$0x0] =	wrdreg $0x60  }
0xb4: {  	[dreg:$0x2] =	wrdreg s24  }
0xb5: {  	[dreg:$0x3] =	wrdreg s16  }
0xb6: {  	[dreg:$0x4] =	wrdreg $0x9  }
0xb7: {  	_ =	task.clear_ibuf [dreg:s7], $0x5FFFF;
	_ =	strace $0x90000046  }
0xb8: {  	s29 =	simm.s32 $0x9;
	_ =	strace $0x80000048  }
0xb9: {  	_ =	swait.ge [sflag:s29], $0x1  }
0xba: {  	[sflag:s29] =	ssyncadd.s32 $0xFFFFFFFF  }
0xbb: {  	_ =	strace $0x90000048  }
0xbc: {  	_ =	sfence  }
0xbd: {  	s30 =	sld [smem:$0x0];
	_ =	sdelay $0x2  }
0xbe: {  	s31 =	sshll.u32 s1, $0xD;
	s1 =	sshrl.u32 s1, $0x2  }
0xbf: {  	s3 =	sand.u32 $0x4000, s31;
	s1 =	sadd.s32 s1, s30  }
0xc0: {  	s0 =	sor.u32 s3, s0;
	s1 =	sshll.u32 s1, $0x11  }
0xc1: {  	s0 =	sor.u32 s1, s0  }
0xc2: {  	s0 =	sadd.s32 $0x8F2B, s0  }
0xc3: {  	[sflag:s0] =	ssyncadd.remote.s32 $0x1  }
0xc4: {  	_ =	sfence.sel $0xFFFF  }
0xc5: {  	[dreg:$0x0] =	wrdreg $0xFFFFFFFF;
	(pc) =	sbr.abs _section_cstart, $3  }
0xc6: {  	[dreg:$0x1] =	wrdreg $0xFFFFFFFF  }
0xc7: {  	_ =	task.clear_ibuf [dreg:s7], $0x2FFFF;
	_ =	strace $0x9FFFFFFF  }
0xc8: {  	(tm) =	ssettm $0x7FFFFFFF  }
0xc9: {  	_ =	shalt  }
tec
execute0_lowered:
.L_overlay_start_1:
0x0: {  	(tag) =	ssettag $0x1  }
0x1: {  	s3 =	rddreg [dreg:$0x0]  }
0x2: {  	s4 =	rddreg [dreg:$0x1];
	s2 =	srdreg.scid  }
0x3: {  	s0 =	rddreg [dreg:$0x2];
	s1 =	stileid.u32  }
0x4: {  	s10 =	simm.s32 $0x40000;
	s11 =	simm.s32 $0x1;
	s12 =	simm.s32 $0x10000  }
0x5: {  	s13 =	simm.s32 $0x10400;
	s14 =	simm.s32 $0x10800;
	s15 =	simm.s32 $0x10C00  }
0x6: {  	s16 =	simm.s32 $0x0;
	s5 =	sand.u32 $0x1, s2;
	s2 =	simm.s32 $0x0  }
0x7: {  	s6 =	sshll.u32 s1, $0xB;
	s7 =	sshll.u32 s5, $0xA;
	[smem:$0x7FF] =	sst s2  }
0x8: {  	s5 =	ssub.s32 $0x2, s5;
	s6 =	sor.u32 s7, s6;
	_ =	strace $0x80000047  }
0x9: {  	s31 =	sshrl.u32 s5, $0x1;
	s7 =	sshrl.u32 s6, $0x3;
	s6 =	sadd.s32 s6, s3  }
0xa: {  	s9 =	ssub.s32 s5, s31;
	s8 =	sadd.s32 s7, s3;
	s3 =	sadd.s32 $0xC00, s6  }
0xb: {  	s4 =	sadd.s32 s4, s7;
	s5 =	sadd.s32 $0x40C00, s8;
	s6 =	sadd.s32 $0x41C00, s8  }
0xc: {  	s7 =	sadd.s32 $0x42C00, s8;
	s8 =	smax.u32 s9, $0x1;
	s9 =	simm.s32 $0x2000  }
.LBB2_1:
0xd: {  	[tilespmem:s2], [sflag:$0x1] =	stream.strided.gather [hbm4b:s3+s9], $0x10000, s10, s9, $0x38;
	[tilespmem:$0x11000] =	vst v63  }
0xe: {  	_ =	swait.ge [sflag:s11], $0x10000  }
0xf: {  	[sflag:s11] =	ssyncset.done $0x0  }
0x10: {  	s17 =	simm.s32 $0x0;
	[sflag:s11] =	ssyncadd.s32 $0xFFFF0000  }
.LBB2_2:
0x11: {  	s18 =	sshll.u32 s17, $0x4  }
0x12: {  	s19 =	sand.u32 $0x70, s18  }
0x13: {  	v0 =	vmov s19  }
0x14: {  	s20 =	sshll.u32 s17, $0x7;
	s21 =	simm.s32 $0x400  }
0x15: {  	s22 =	simm.s32 $0x80;
	s20 =	sand.u32 $0x1C00, s20;
	s21 =	sand.u32 $0xE000, s21  }
0x16: {  	s22 =	sand.u32 $0x380, s22;
	s21 =	sor.u32 s21, s20  }
0x17: {  	s21 =	sadd.s32 s22, s21  }
0x18: {  	s19 =	sor.u32 s19, s20;
	v4 =	vld.idx.msk [tilespmem:v0+s21+$0x0 ss:$0x1], $0xffff  }
0x19: {  	v6 =	vld [tilespmem:s19+$0x0]  }
0x1a: {  	s29 =	simm.s32 $0x800  }
0x1b: {  	s30 =	simm.s32 $0x100;
	s31 =	sand.u32 $0xE000, s29  }
0x1c: {  	v2 =	vimm.f32 $-Inf;
	s22 =	sor.u32 s31, s20;
	s21 =	sand.u32 $0x380, s30  }
0x1d: {  	v1 =	vimm.s32 $0x0;
	s19 =	simm.s32 $0x1;
	s22 =	sadd.s32 s21, s22;
	vm1 =	vgt.f32 v4, v2  }
0x1e: {  	v3 =	vld.idx.msk [tilespmem:v0+s22+$0x0 ss:$0x1], $0xffff;
	vm0 =	vgt.f32 v4, v6;
	v2 =	vsel vm1, v4, v2;
	v7 =	vsel vm1, s19, v1  }
0x1f: {  	s21 =	simm.s32 $0xC00;
	s22 =	simm.s32 $0x180;
	v4 =	vsel vm0, v4, v6;
	v5 =	vsel vm0, v6, v2;
	v2 =	vsel vm0, v1, v7  }
.LBB2_3:
0x20: {  	s23 =	sand.u32 $0xE000, s21;
	p0 =	sne.s32 s21, $0xFC00;
	s21 =	sadd.s32 $0x400, s21;
	v1 =	vsel vm0, s19, v1  }
.Ltmp0:
0x21: {  	s24 =	sand.u32 $0x380, s22;
	s23 =	sor.u32 s23, s20;
	(pc) =	sbr.rel @p0 .LBB2_3-.Ltmp0, $4  }
0x22: {  	s23 =	sadd.s32 s24, s23  }
0x23: {  	s19 =	sadd.s32 $0x1, s19;
	vm1 =	vgt.f32 v3, v5;
	v6 =	vmov v3;
	v3 =	vld.idx.msk [tilespmem:v0+s23+$0x0 ss:$0x1], $0xffff  }
0x24: {  	vm0 =	vgt.f32 v6, v4;
	v5 =	vsel vm1, v6, v5;
	v2 =	vsel vm1, s19, v2  }
0x25: {  	s22 =	sadd.s32 $0x80, s22;
	v5 =	vsel vm0, v4, v5;
	v2 =	vsel vm0, v1, v2;
	v4 =	vsel vm0, v6, v4  }
0x26: {  	_ =	sdelay $0x1  }
0x27: {  	vm1 =	vgt.f32 v3, v5  }
0x28: {  	vm2 =	vgt.f32 v3, v4;
	v0 =	vsel vm1, v3, v5  }
0x29: {  	v60 =	vsel vm2, v3, v4;
	v0 =	vsel vm2, v4, v0  }
0x2a: {  	v0 =	vsub.f32 v0, v60;
	_ =	sdelay $0x1  }
0x2b: {  	v0 =	vmul.f32 $1.442695020e+00, v0;
	_ =	sdelay $0x1  }
0x2c: {  	(erf) = vpow2.f32 v0;
	_ =	sdelay $0x8  }
0x2d: {  	v0 =	vpop (erf)  }
0x2e: {  	v61 =	vadd.f32 $1.000000000e+00, v0;
	_ =	sdelay $0x1  }
0x2f: {  	(erf) = vrcp.f32 v61;
	_ =	sdelay $0x5  }
0x30: {  	s17 =	sadd.s32 $0x1, s17  }
0x31: {  	v1 =	vsel vm0, s19, v1;
	s31 =	sadd.s32 $0x1, s19;
	p0 =	sne.s32 s17, $0x40  }
.Ltmp1:
0x32: {  	v2 =	vsel vm1, s31, v2;
	v62 =	vsel vm2, s31, v1;
	(pc) =	sbr.rel @p0 .LBB2_2-.Ltmp1, $4  }
0x33: {  	v1 =	vsel vm2, v1, v2;
	[tilespmem:s18+$0x10000] =	vst v62;
	v63 =	vpop (erf)  }
0x34: {  	[tilespmem:s18+$0x10400] =	vst v1;
	v0 =	vmul.f32 v63, v0  }
0x35: {  	[tilespmem:s18+$0x10800] =	vst v63  }
0x36: {  	[tilespmem:s18+$0x10C00] =	vst v0  }
0x37: {  	[hbm4b:s4+s2] =	stream.linear.scatter [tilespmem:s12], [sflag:$0x1], $0x400, $0x38;
	[tilespmem:$0x11000] =	vst v63  }
0x38: {  	_ =	swait.ge [sflag:s11], $0x400  }
0x39: {  	[sflag:s11] =	ssyncset.done $0x0  }
0x3a: {  	[sflag:s11] =	ssyncadd.s32 $0xFFFFFC00  }
0x3b: {  	[hbm4b:s5+s2] =	stream.linear.scatter [tilespmem:s13], [sflag:$0x1], $0x400, $0x38;
	[tilespmem:$0x11000] =	vst v63  }
0x3c: {  	_ =	swait.ge [sflag:s11], $0x400  }
0x3d: {  	[sflag:s11] =	ssyncset.done $0x0  }
0x3e: {  	[sflag:s11] =	ssyncadd.s32 $0xFFFFFC00  }
0x3f: {  	[hbm4b:s6+s2] =	stream.linear.scatter [tilespmem:s14], [sflag:$0x1], $0x400, $0x38;
	[tilespmem:$0x11000] =	vst v63  }
0x40: {  	s16 =	sadd.s32 $0x1, s16;
	_ =	swait.ge [sflag:s11], $0x400  }
0x41: {  	p0 =	sne.s32 s16, s8;
	[sflag:s11] =	ssyncset.done $0x0  }
.Ltmp2:
0x42: {  	[sflag:s11] =	ssyncadd.s32 $0xFFFFFC00;
	(pc) =	sbr.rel @p0 .LBB2_1-.Ltmp2, $4  }
0x43: {  	[hbm4b:s7+s2] =	stream.linear.scatter [tilespmem:s15], [sflag:$0x1], $0x400, $0x38;
	[tilespmem:$0x11000] =	vst v63  }
0x44: {  	_ =	swait.ge [sflag:s11], $0x400  }
0x45: {  	[sflag:s11] =	ssyncset.done $0x0  }
0x46: {  	[sflag:s11] =	ssyncadd.s32 $0xFFFFFC00  }
0x47: {  	_ =	sfence.sel $0x180000  }
0x48: {  	[bflag:$0x0] =	sbarrier.arrive $0xFFFF  }
0x49: {  	p0 =	sne.s32 s1, $0x0;
	_ =	strace $0x90000047  }
0x4a: {  	s0 =	sadd.s32 @!p0 $0x100000, s0;
	[bflag:$0x2] =	sbarrier.arrive $0xFFFF  }
0x4b: {  	[sflag:s0] =	ssyncadd.tile.s32 @!p0 $0x1;
	_ =	shalt  }
.Lfunc_end2:
_tile_overlayer_lowered:
.L_overlay_start_2:
0x4c: {  	(tag) =	ssettag $0x2  }
0x4d: {  	s0 =	rddreg [dreg:$0x0];
	s2 =	stileid.u32  }
0x4e: {  	s1 =	rddreg [dreg:$0x1];
	p0 =	sne.s32 s2, $0x0  }
0x4f: {  	s3 =	rddreg [dreg:$0x2];
	[bflag:$0x3] =	sbarrier.arrive $0xFFFF;
	s2 =	simm.s32 @!p0 $0x1C01  }
0x50: {  	[timem:s3], [sflag:s2] =	dma.local @!p0 [hbm:s0], s1  }
0x51: {  	s0 =	simm.s32 @!p0 $0x1  }
0x52: {  	_ =	swait.ge @!p0 [sflag:s0], s1  }
0x53: {  	s1 =	ssub.s32 @!p0 $0x0, s1;
	[sflag:s0] =	ssyncset.done @!p0 $0x0  }
0x54: {  	[sflag:s0] =	ssyncadd.s32 @!p0 s1  }
0x55: {  	[bflag:$0x3] =	sbarrier.arrive $0xFFFF  }
0x56: {  	_ =	shalt  }

</sc_bundles>
